<compile_context>
chip_gen: v7x
topology: tpu7x:2x2x1
jax: 0.10.2.dev20260603
libtpu: 0.0.44.dev20260713+nightly
codegen_flags: <defaults>
</compile_context>

<pallas_src>
import functools

import jax
import jax.numpy as jnp
from jax import lax
from jax.experimental import pallas as pl
from jax.experimental.pallas import tpu as pltpu
from jax.experimental.pallas import tpu_sc as plsc

VOCAB = 1000
VPAD = 1024
BATCH = 16384

_info = plsc.get_sparse_core_info()
NC, NS = _info.num_cores, _info.num_subcores
NW = NC * NS
B_PER_W = BATCH // NW
R = 32
CH = B_PER_W // R


def _gather_kernel(table_pad, idx2):
    mesh = plsc.VectorSubcoreMesh(core_axis_name="c", subcore_axis_name="s")

    @functools.partial(
        pl.kernel,
        mesh=mesh,
        out_type=jax.ShapeDtypeStruct((BATCH, VPAD), jnp.float32),
        scratch_types=[
            pltpu.VMEM((CH, R), jnp.int32),
            pltpu.VMEM((R, VPAD), jnp.float32),
            pltpu.SemaphoreType.DMA,
            pltpu.SemaphoreType.DMA,
        ],
    )
    def k(table_hbm, idx_hbm, out_hbm, idx_v, buf, gsem, wsem):
        sid = lax.axis_index("s")
        wid = sid * NC + lax.axis_index("c")
        base = wid * B_PER_W
        pltpu.sync_copy(idx_hbm.at[pl.ds(wid * CH, CH)], idx_v)

        def chunk(c, carry):
            pltpu.async_copy(table_hbm.at[idx_v.at[c]], buf, gsem).wait()
            pltpu.async_copy(
                buf, out_hbm.at[pl.ds(base + c * R, R)], wsem
            ).wait()
            return carry

        lax.fori_loop(0, CH, chunk, 0)

    return k(table_pad, idx2)


def kernel(idx, token_embedding_table):
    table_pad = jnp.pad(token_embedding_table, ((0, 0), (0, VPAD - VOCAB)))
    idx2 = idx.reshape(NW * CH, R)
    out_pad = _gather_kernel(table_pad, idx2)
    return out_pad[:, :VOCAB]

# --- scband reference (transcript-rebuilt; emitter-appended) ---
"""Pipeline reference for scband-bigram-language-model-89438398972490 (READ-ONLY COPY).

The authoritative reference and input builder live on the scoring server;
editing this copy changes nothing except your own understanding.
"""

import jax, jax.numpy as jnp
import numpy as np

VOCAB = 1000
BATCH = 16384


def setup_inputs(seed: int = 0) -> dict:
    key = jax.random.key(seed)
    k_idx, k_tab = jax.random.split(key)
    idx = jax.random.randint(k_idx, (BATCH,), 0, VOCAB, dtype=jnp.int32)
    # nn.Embedding default init: N(0, 1)
    token_embedding_table = jax.random.normal(k_tab, (VOCAB, VOCAB), dtype=jnp.float32)
    return {"idx": idx, "token_embedding_table": token_embedding_table}


def reference(idx, token_embedding_table):
    # logits = self.token_embedding_table(idx); targets is None -> loss is None
    logits = jnp.take(token_embedding_table, idx, axis=0)
    return logits

if __name__ == "__main__":
    import jax
    _d = setup_inputs()
    print(jax.jit(kernel)(*tuple(_d.values())))

</pallas_src>

<mosaic_0001>
#map = affine_map<(d0, d1) -> (0, 0)>
module attributes {stable_mosaic.version = 14 : i64} {
  func.func @k(%arg0: i32, %arg1: i32, %arg2: memref<1000x1024xf32, #tpu.memory_space<hbm>>, %arg3: memref<512x32xi32, #tpu.memory_space<hbm>>, %arg4: memref<16384x1024xf32, #tpu.memory_space<hbm>>, %arg5: memref<16x32xi32, #tpu.memory_space<vmem>>, %arg6: memref<32x1024xf32, #tpu.memory_space<vmem>>, %arg7: memref<!tpu.dma_semaphore, #tpu.memory_space<semaphore_mem>>, %arg8: memref<!tpu.dma_semaphore, #tpu.memory_space<semaphore_mem>>) attributes {dimension_semantics = [#tpu.dimension_semantics<core_parallel>, #tpu.dimension_semantics<subcore_parallel>], iteration_bounds = array<i64: 2, 16>, scalar_prefetch = 0 : i64, scratch_operands = 4 : i64, tpu.core_type = #tpu.core_type<sc_vector_subcore>, window_params = [{transform_indices = #map}, {transform_indices = #map}, {transform_indices = #map}]} {
    %mul3A = arith.constant 2 : i32
    %mul3A_0 = arith.muli %arg1, %mul3A : i32
    %add3A = arith.addi %mul3A_0, %arg0 : i32
    %mul3A_1 = arith.constant 512 : i32
    %mul3A_2 = arith.muli %add3A, %mul3A_1 : i32
    %mul3A_3 = arith.constant 16 : i32
    %mul3A_4 = arith.muli %add3A, %mul3A_3 : i32
    "tpu.region"() ({
      %run_scoped3A = tpu.sem_alloc : memref<!tpu.dma_semaphore, #tpu.memory_space<semaphore_mem>>
      %dma_start3A = arith.constant 0 : i32
      %dma_start3A_10 = tpu.memref_slice %arg3[%mul3A_4, %dma_start3A] : memref<512x32xi32, #tpu.memory_space<hbm>> -> memref<16x32xi32, #tpu.memory_space<hbm>>
      %dma_start3A_11 = arith.constant 0 : i32
      %dma_start3A_12 = tpu.memref_slice %arg3[%mul3A_4, %dma_start3A_11] : memref<512x32xi32, #tpu.memory_space<hbm>> -> memref<16x32xi32, #tpu.memory_space<hbm>>
      tpu.enqueue_dma source(%dma_start3A_12 : memref<16x32xi32, #tpu.memory_space<hbm>>) target(%arg5 : memref<16x32xi32, #tpu.memory_space<vmem>>) target_semaphore(%run_scoped3A : memref<!tpu.dma_semaphore, #tpu.memory_space<semaphore_mem>>)
      %dma_wait3A = arith.constant 0 : i32
      %dma_wait3A_13 = tpu.memref_slice %arg3[%mul3A_4, %dma_wait3A] : memref<512x32xi32, #tpu.memory_space<hbm>> -> memref<16x32xi32, #tpu.memory_space<hbm>>
      %dma_wait3A_14 = arith.constant 0 : i32
      %dma_wait3A_15 = tpu.memref_slice %arg3[%mul3A_4, %dma_wait3A_14] : memref<512x32xi32, #tpu.memory_space<hbm>> -> memref<16x32xi32, #tpu.memory_space<hbm>>
      tpu.wait_dma2 semaphore(%run_scoped3A : memref<!tpu.dma_semaphore, #tpu.memory_space<semaphore_mem>>) src(%dma_wait3A_15 : memref<16x32xi32, #tpu.memory_space<hbm>>) dst(%arg5 : memref<16x32xi32, #tpu.memory_space<vmem>>)
      tpu.yield
    }) : () -> ()
    %scan3A = arith.constant 0 : i32
    %scan3A_5 = arith.constant 0 : i32
    %scan3A_6 = arith.constant 16 : i32
    %scan3A_7 = arith.addi %scan3A_5, %scan3A_6 : i32
    %scan3A_8 = arith.constant 1 : i32
    scf.for %scan3A_10 = %scan3A_5 to %scan3A_7 step %scan3A_8  : i32 {
      %dma_start3A = arith.constant 0 : i32
      %dma_start3A_11 = tpu.memref_slice %arg5[%scan3A_10, %dma_start3A] : memref<16x32xi32, #tpu.memory_space<vmem>> -> memref<1x32xi32, #tpu.memory_space<vmem>>
      %dma_start3A_12 = tpu.memref_squeeze %dma_start3A_11 : memref<1x32xi32, #tpu.memory_space<vmem>> -> memref<32xi32, #tpu.memory_space<vmem>>
      %dma_start3A_13 = arith.constant 0 : i32
      %dma_start3A_14 = arith.constant 0 : i32
      %dma_start3A_15 = tpu.memref_slice %arg2[%dma_start3A_13, %dma_start3A_14] : memref<1000x1024xf32, #tpu.memory_space<hbm>> -> memref<1000x1024xf32, #tpu.memory_space<hbm>>
      tpu.enqueue_indirect_dma source(%dma_start3A_15 : memref<1000x1024xf32, #tpu.memory_space<hbm>>) target(%arg6 : memref<32x1024xf32, #tpu.memory_space<vmem>>) offsets(%dma_start3A_12 : memref<32xi32, #tpu.memory_space<vmem>>) semaphore(%arg7 : memref<!tpu.dma_semaphore, #tpu.memory_space<semaphore_mem>>)
      %dma_wait3A = arith.constant 0 : i32
      %dma_wait3A_16 = tpu.memref_slice %arg5[%scan3A_10, %dma_wait3A] : memref<16x32xi32, #tpu.memory_space<vmem>> -> memref<1x32xi32, #tpu.memory_space<vmem>>
      %dma_wait3A_17 = tpu.memref_squeeze %dma_wait3A_16 : memref<1x32xi32, #tpu.memory_space<vmem>> -> memref<32xi32, #tpu.memory_space<vmem>>
      %dma_wait3A_18 = arith.constant 0 : i32
      %dma_wait3A_19 = arith.constant 0 : i32
      %dma_wait3A_20 = tpu.memref_slice %arg2[%dma_wait3A_18, %dma_wait3A_19] : memref<1000x1024xf32, #tpu.memory_space<hbm>> -> memref<1000x1024xf32, #tpu.memory_space<hbm>>
      tpu.wait_indirect_dma semaphore(%arg7 : memref<!tpu.dma_semaphore, #tpu.memory_space<semaphore_mem>>) src(%dma_wait3A_20 : memref<1000x1024xf32, #tpu.memory_space<hbm>>) dst(%arg6 : memref<32x1024xf32, #tpu.memory_space<vmem>>)
      %mul3A_21 = arith.constant 32 : i32
      %mul3A_22 = arith.muli %scan3A_10, %mul3A_21 : i32
      %add3A_23 = arith.addi %mul3A_2, %mul3A_22 : i32
      %dma_start3A_24 = arith.constant 0 : i32
      %dma_start3A_25 = tpu.memref_slice %arg4[%add3A_23, %dma_start3A_24] : memref<16384x1024xf32, #tpu.memory_space<hbm>> -> memref<32x1024xf32, #tpu.memory_space<hbm>>
      %dma_start3A_26 = arith.constant 0 : i32
      %dma_start3A_27 = tpu.memref_slice %arg4[%add3A_23, %dma_start3A_26] : memref<16384x1024xf32, #tpu.memory_space<hbm>> -> memref<32x1024xf32, #tpu.memory_space<hbm>>
      tpu.enqueue_dma source(%arg6 : memref<32x1024xf32, #tpu.memory_space<vmem>>) target(%dma_start3A_27 : memref<32x1024xf32, #tpu.memory_space<hbm>>) target_semaphore(%arg8 : memref<!tpu.dma_semaphore, #tpu.memory_space<semaphore_mem>>)
      %dma_wait3A_28 = arith.constant 0 : i32
      %dma_wait3A_29 = tpu.memref_slice %arg4[%add3A_23, %dma_wait3A_28] : memref<16384x1024xf32, #tpu.memory_space<hbm>> -> memref<32x1024xf32, #tpu.memory_space<hbm>>
      %dma_wait3A_30 = arith.constant 0 : i32
      %dma_wait3A_31 = tpu.memref_slice %arg4[%add3A_23, %dma_wait3A_30] : memref<16384x1024xf32, #tpu.memory_space<hbm>> -> memref<32x1024xf32, #tpu.memory_space<hbm>>
      tpu.wait_dma2 semaphore(%arg8 : memref<!tpu.dma_semaphore, #tpu.memory_space<semaphore_mem>>) src(%arg6 : memref<32x1024xf32, #tpu.memory_space<vmem>>) dst(%dma_wait3A_31 : memref<32x1024xf32, #tpu.memory_space<hbm>>)
    }
    %scan3A_9 = arith.constant 16 : i32
    return
  }
}

</mosaic_0001>

<sc_bundles>
// kernel: kernel.3.cloned.1.call-start
scs
__scs_entry_jumppad:
0x0: {  	(pc) =	sbr.rel $0x88, $3  }
0x1: {  	(tag) =	ssettag $0x0;
	lr =	simm.s32 $0x1  }
0x2: {  	[smem:$0x3F9F] =	sst lr;
	_ =	strace $0xD0000000  }
0x3: {  	_ = 	snop  }
0x4: {  	_ = 	snop  }
0x5: {  	_ = 	snop  }
0x6: {  	_ = 	snop  }
0x7: {  	_ = 	snop  }
__scs_overlays_trampoline_lowered:
0x8: {  	[smem:$0x3FAE] =	sst s0  }
0x9: {  	[smem:$0x3FAF] =	sst s1  }
0xa: {  	[smem:$0x3FB0] =	sst s2  }
0xb: {  	[smem:$0x3FB1] =	sst s3  }
0xc: {  	[smem:$0x3FB2] =	sst s4  }
0xd: {  	[smem:$0x3FB3] =	sst s5  }
0xe: {  	[smem:$0x3FB4] =	sst s6  }
0xf: {  	[smem:$0x3FB5] =	sst s7  }
0x10: {  	[smem:$0x3FB6] =	sst s8  }
0x11: {  	[smem:$0x3FB7] =	sst s9;
	s0 =	simm.s32 @!p0 $0x0  }
0x12: {  	s1 =	sld [smem:$0x3F9D];
	s0 =	simm.s32 @p0 $0x1  }
0x13: {  	[smem:$0x3FB8] =	sst s0;
	s0 =	simm.s32 @!p1 $0x0  }
0x14: {  	s2 =	sld [smem:$0x3F9C];
	s0 =	simm.s32 @p1 $0x1  }
0x15: {  	[smem:$0x3FB9] =	sst s0;
	s0 =	simm.s32 @!p2 $0x0  }
0x16: {  	s3 =	sld [smem:$0x3FDB];
	s0 =	simm.s32 @p2 $0x1  }
0x17: {  	s4 =	simm.s32 $0x1BF5;
	[smem:$0x3FBB] =	sst s0  }
0x18: {  	s0 =	sld [smem:$0x3F9E];
	_ =	swait.ge [sflag:s4], $0x0  }
0x19: {  	s7 =	sld [smem:$0x3F9F]  }
0x1a: {  	s8 =	sadd.s32 $0xFFFFE003, lr  }
0x1b: {  	s9 =	sadd.s32 $0xFFFFFEF7, lr;
	s5 =	simm.s32 $0xFFFFFFFF;
	p2 =	slt.u32 s8, $0xFFFFF086  }
0x1c: {  	p1 =	slt.u32 s9, $0xF7A;
	s5 =	simm.s32 @!p2 $0x0  }
0x1d: {  	s5 =	simm.s32 @p1 $0x1;
	p0 =	seq.s32 s7, s2  }
0x1e: {  	s7 =	smul.u32 @!p0 $0xF7A, s2;
	p2 =	seq.s32 @!p0 s5, $0x0  }
0x1f: {  	s9 =	smul.u32 $0xF7A, s1;
	s8 =	simm.s32 @!p0 $0x1BF5;
	p2 =	por !p2, p0  }
0x20: {  	[sflag:s8] =	ssyncset.s32 @!p0 $0xFFFFF086;
	s6 =	sadd.s32 @!p0 s3, s7;
	s7 =	simm.s32 @!p0 $0x108  }
0x21: {  	s3 =	sadd.s32 s3, s9;
	s6 =	sadd.s32 @!p0 $0x88, s6;
	s7 =	simm.s32 @p2 $0x1082  }
0x22: {  	[simem:s7], [sflag:s8] =	dma.local @!p0 [hbm:s6], $0xF7A  }
0x23: {  	s9 =	sor.u32 $0xD0000000, s2;
	s6 =	simm.s32 $0x108;
	_ =	swait.ge @!p0 [sflag:s8], $0x0  }
0x24: {  	s3 =	sadd.s32 $0x88, s3;
	s6 =	simm.s32 @!p1 $0x1082;
	[sflag:s4] =	ssyncset.s32 $0xFFFFF086  }
0x25: {  	[simem:s6], [sflag:s4] =	dma.local [hbm:s3], $0xF7A  }
0x26: {  	[smem:$0x3F9F] =	sst s1;
	(tag) =	ssettag s2;
	_ =	strace s9  }
0x27: {  	s1 =	sld [smem:$0x3FAF]  }
0x28: {  	s2 =	sld [smem:$0x3FB0]  }
0x29: {  	s4 =	sld [smem:$0x3FB2]  }
0x2a: {  	p0 =	seq.s32 s5, $0x0;
	s5 =	sld [smem:$0x3FB3]  }
0x2b: {  	s6 =	sld [smem:$0x3FB4]  }
0x2c: {  	s7 =	sld [smem:$0x3FB5]  }
0x2d: {  	s3 =	simm.s32 $0x108;
	s8 =	sld [smem:$0x3FB6]  }
0x2e: {  	s3 =	simm.s32 @!p0 $0x1082;
	s9 =	sld [smem:$0x3FB7]  }
0x2f: {  	lr =	sadd.s32 s0, s3;
	s0 =	sld [smem:$0x3FAE]  }
0x30: {  	s3 =	sld [smem:$0x3FB1]  }
0x31: {  	[smem:$0x3FBA] =	sst s10  }
0x32: {  	s10 =	sld [smem:$0x3FB8];
	_ =	sdelay $0x3  }
0x33: {  	p0 =	seq.s32 s10, $0x1;
	s10 =	sld [smem:$0x3FBA];
	_ =	sdelay $0x3  }
0x34: {  	[smem:$0x3FBA] =	sst s10  }
0x35: {  	s10 =	sld [smem:$0x3FB9];
	_ =	sdelay $0x3  }
0x36: {  	p1 =	seq.s32 s10, $0x1;
	s10 =	sld [smem:$0x3FBA];
	_ =	sdelay $0x3  }
0x37: {  	[smem:$0x3FBA] =	sst s10  }
0x38: {  	s10 =	sld [smem:$0x3FBB]  }
0x39: {  	_ = 	snop;
	(pc) =	sbr.ind lr, $3  }
0x3a: {  	_ = 	snop  }
0x3b: {  	_ = 	snop  }
0x3c: {  	p2 =	seq.s32 s10, $0x1;
	s10 =	sld [smem:$0x3FBA]  }
0x3d: {  	_ =	shalt  }
0x3e: {  	_ =	shalt  }
0x3f: {  	_ =	shalt  }
0x40: {  	_ =	shalt  }
0x41: {  	_ =	shalt  }
0x42: {  	_ =	shalt  }
0x43: {  	_ =	shalt  }
0x44: {  	_ =	shalt  }
0x45: {  	_ =	shalt  }
0x46: {  	_ =	shalt  }
0x47: {  	_ =	shalt  }
0x48: {  	_ =	shalt  }
0x49: {  	_ =	shalt  }
0x4a: {  	_ =	shalt  }
0x4b: {  	_ =	shalt  }
0x4c: {  	_ =	shalt  }
0x4d: {  	_ =	shalt  }
0x4e: {  	_ =	shalt  }
0x4f: {  	_ =	shalt  }
0x50: {  	_ =	shalt  }
0x51: {  	_ =	shalt  }
0x52: {  	_ =	shalt  }
0x53: {  	_ =	shalt  }
0x54: {  	_ =	shalt  }
0x55: {  	_ =	shalt  }
0x56: {  	_ =	shalt  }
0x57: {  	_ =	shalt  }
0x58: {  	_ =	shalt  }
0x59: {  	_ =	shalt  }
0x5a: {  	_ =	shalt  }
0x5b: {  	_ =	shalt  }
0x5c: {  	_ =	shalt  }
0x5d: {  	_ =	shalt  }
0x5e: {  	_ =	shalt  }
0x5f: {  	_ =	shalt  }
0x60: {  	_ =	shalt  }
0x61: {  	_ =	shalt  }
0x62: {  	_ =	shalt  }
0x63: {  	_ =	shalt  }
0x64: {  	_ =	shalt  }
0x65: {  	_ =	shalt  }
0x66: {  	_ =	shalt  }
0x67: {  	_ =	shalt  }
0x68: {  	_ =	shalt  }
0x69: {  	_ =	shalt  }
0x6a: {  	_ =	shalt  }
0x6b: {  	_ =	shalt  }
0x6c: {  	_ =	shalt  }
0x6d: {  	_ =	shalt  }
0x6e: {  	_ =	shalt  }
0x6f: {  	_ =	shalt  }
0x70: {  	_ =	shalt  }
0x71: {  	_ =	shalt  }
0x72: {  	_ =	shalt  }
0x73: {  	_ =	shalt  }
0x74: {  	_ =	shalt  }
0x75: {  	_ =	shalt  }
0x76: {  	_ =	shalt  }
0x77: {  	_ =	shalt  }
0x78: {  	_ =	shalt  }
0x79: {  	_ =	shalt  }
0x7a: {  	_ =	shalt  }
0x7b: {  	_ =	shalt  }
0x7c: {  	_ =	shalt  }
0x7d: {  	_ =	shalt  }
0x7e: {  	_ =	shalt  }
0x7f: {  	_ =	shalt  }
0x80: {  	_ =	shalt  }
0x81: {  	_ =	shalt  }
0x82: {  	_ =	shalt  }
0x83: {  	_ =	shalt  }
0x84: {  	_ =	shalt  }
0x85: {  	_ =	shalt  }
0x86: {  	_ =	shalt  }
0x87: {  	_ =	shalt  }
.Lfunc_end0:
.L_simem_size_0:
called_computation.1_lowered:
.L_overlay_start_0:
0x88: {  	s2 =	sld [smem:$0x3FD9]  }
0x89: {  	s3 =	sld [smem:$0x3FFE];
	_ =	sdelay $0x1  }
0x8a: {  	s1 =	srdreg.scid  }
0x8b: {  	s0 =	sand.u32 $0x1, s1  }
0x8c: {  	s17 =	sshll.u32 s0, $0xA;
	s2 =	sadd.s32 s3, s2  }
0x8d: {  	s2 =	sadd.s32 s2, s17  }
0x8e: {  	[smem:$0x3FC6] =	sst s2  }
0x8f: {  	_ = 	snop  }
0x90: {  	s2 =	sld [smem:$0x3FD0];
	(tm) =	ssettm $0x1  }
0x91: {  	s18 =	sld [smem:$0x3FFB];
	_ =	sdelay $0x3  }
0x92: {  	_ =	strace s18  }
0x93: {  	s3 =	sld [smem:$0x3FFC];
	_ =	sdelay $0x3  }
0x94: {  	_ =	strace s3  }
0x95: {  	s3 =	sld [smem:$0x3FFD];
	_ =	sdelay $0x3  }
0x96: {  	_ =	strace s3  }
0x97: {  	_ =	strace $0x8FFFFFFF  }
0x98: {  	s19 =	sld [smem:$0x3FDB];
	_ =	sdelay $0x1  }
0x99: {  	s4 =	simm.s32 $_scs_section_size  }
0x9a: {  	s5 =	simm.s32 $_size__tile_overlayer_lowered;
	s6 =	simm.s32 $_tile_overlayer_lowered  }
0x9b: {  	s22 =	simm.s32 $0x1BFF;
	s21 =	sshll.u32 s6, $0x1;
	s3 =	sadd.s32 s4, s19  }
0x9c: {  	s7 =	simm.s32 $0x0;
	s20 =	sshll.u32 s5, $0x1;
	s5 =	sadd.s32 s21, s3  }
0x9d: {  	[timem:s7], [sflag:s22] =	dma.local [hbm:s5], s20  }
0x9e: {  	_ =	swait.ge [sflag:s22], s20  }
0x9f: {  	s4 =	ssub.s32 $0x0, s20;
	[sflag:s22] =	ssyncset.done $0x0  }
0xa0: {  	[sflag:s22] =	ssyncadd.s32 s4;
	_ =	sdelay $0x1  }
0xa1: {  	s23 =	simm.s32 $0x1B8B  }
0xa2: {  	_ =	swait.ge [sflag:s23], $0x1  }
0xa3: {  	[sflag:s23] =	ssyncset.done $0x0  }
0xa4: {  	s25 =	simm.s32 $0x1B8E;
	s24 =	sld [smem:$0x3FFE];
	[sflag:s23] =	ssyncadd.s32 $0xFFFFFFFF  }
0xa5: {  	s26 =	simm.s32 $execute0_lowered;
	[smem:$0x3FD2] =	sst s25  }
0xa6: {  	s5 =	sshll.u32 s26, $0x1;
	_ =	strace $0x80000046;
	[dreg:$0x1] =	wrdreg $0xFFFFFFFF  }
0xa7: {  	s28 =	simm.s32 $_size_execute0_lowered;
	s3 =	sadd.s32 s3, s5;
	[dreg:$0x0] =	wrdreg $0x0  }
0xa8: {  	s5 =	sshll.u32 s28, $0x1;
	[dreg:$0x2] =	wrdreg s3  }
0xa9: {  	[dreg:$0x3] =	wrdreg s5  }
0xaa: {  	[dreg:$0x4] =	wrdreg $0xC0  }
0xab: {  	_ =	task [dreg:s7], $0x5FFFF  }
0xac: {  	[dreg:$0x1] =	wrdreg $0xFFFFFFFF  }
0xad: {  	[dreg:$0x0] =	wrdreg $0x60  }
0xae: {  	[dreg:$0x2] =	wrdreg s2  }
0xaf: {  	[dreg:$0x3] =	wrdreg s24  }
0xb0: {  	[dreg:$0x4] =	wrdreg $0x9  }
0xb1: {  	_ =	task.clear_ibuf [dreg:s7], $0x5FFFF;
	_ =	strace $0x90000046  }
0xb2: {  	s29 =	simm.s32 $0x9;
	_ =	strace $0x80000048  }
0xb3: {  	_ =	swait.ge [sflag:s29], $0x1  }
0xb4: {  	[sflag:s29] =	ssyncadd.s32 $0xFFFFFFFF  }
0xb5: {  	_ =	strace $0x90000048  }
0xb6: {  	_ =	sfence  }
0xb7: {  	s30 =	sld [smem:$0x0];
	_ =	sdelay $0x2  }
0xb8: {  	s31 =	sshll.u32 s1, $0xD;
	s1 =	sshrl.u32 s1, $0x2  }
0xb9: {  	s3 =	sand.u32 $0x4000, s31;
	s1 =	sadd.s32 s1, s30  }
0xba: {  	s0 =	sor.u32 s3, s0;
	s1 =	sshll.u32 s1, $0x11  }
0xbb: {  	s0 =	sor.u32 s1, s0  }
0xbc: {  	s0 =	sadd.s32 $0x8F2B, s0  }
0xbd: {  	[sflag:s0] =	ssyncadd.remote.s32 $0x1  }
0xbe: {  	_ =	sfence.sel $0xFFFF  }
0xbf: {  	[dreg:$0x0] =	wrdreg $0xFFFFFFFF;
	(pc) =	sbr.abs _section_cstart, $3  }
0xc0: {  	[dreg:$0x1] =	wrdreg $0xFFFFFFFF  }
0xc1: {  	_ =	task.clear_ibuf [dreg:s7], $0x2FFFF;
	_ =	strace $0x9FFFFFFF  }
0xc2: {  	(tm) =	ssettm $0x7FFFFFFF  }
0xc3: {  	_ =	shalt  }
tec
execute0_lowered:
.L_overlay_start_1:
0x0: {  	(tag) =	ssettag $0x1  }
0x1: {  	s1 =	rddreg [dreg:$0x0]  }
0x2: {  	s0 =	rddreg [dreg:$0x1];
	s4 =	srdreg.scid  }
0x3: {  	s3 =	simm.s32 $0x0;
	s2 =	stileid.u32;
	s10 =	simm.s32 $0x3  }
0x4: {  	s11 =	simm.s32 $0x800;
	s12 =	simm.s32 $0x1000;
	s13 =	simm.s32 $0x1800  }
0x5: {  	s14 =	simm.s32 $0x2000;
	s15 =	simm.s32 $0x2800;
	s16 =	simm.s32 $0x3000  }
0x6: {  	s17 =	simm.s32 $0x3800;
	s18 =	simm.s32 $0x4000;
	s19 =	simm.s32 $0x4800  }
0x7: {  	s20 =	simm.s32 $0x5000;
	s21 =	simm.s32 $0x5800;
	s22 =	simm.s32 $0x6000  }
0x8: {  	s23 =	simm.s32 $0x6800;
	s24 =	simm.s32 $0x7000;
	s25 =	simm.s32 $0x7800  }
0x9: {  	s28 =	simm.s32 $0x1;
	s29 =	simm.s32 $0x2;
	s30 =	simm.s32 $0x0  }
0xa: {  	s7 =	sand.u32 $0x1, s4;
	[smem:$0x7FF] =	sst s3;
	s26 =	sshll.u32 s2, $0x9  }
0xb: {  	s6 =	sshll.u32 s2, $0x11;
	s5 =	sshll.u32 s7, $0x8;
	_ =	strace $0x80000047  }
0xc: {  	s31 =	ssub.s32 $0x2, s7;
	s9 =	sshll.u32 s7, $0x10;
	s7 =	sadd.s32 $0x300, s1  }
0xd: {  	s4 =	sor.u32 s5, s26;
	s8 =	sshrl.u32 s31, $0x1;
	s5 =	sadd.s32 $0x100, s1  }
0xe: {  	v2 =	vlaneseq.u32;
	s26 =	simm.s32 $0x8000;
	s4 =	sadd.s32 s4, s0;
	s0 =	sadd.s32 s6, s0  }
0xf: {  	vm0 =	vmmov $0xffff;
	v1 =	vshrl.u32 v2, $0x3;
	s8 =	ssub.s32 s31, s8;
	s6 =	sadd.s32 $0x200, s1;
	s0 =	sadd.s32 s9, s0  }
0x10: {  	v0 =	vand.u32 $0x7, v2;
	v2 =	vor.u32 $0x8, v2;
	v1 =	vmul.u32 $0x8, v1;
	s4 =	sadd.s32 $0x800, s4;
	s8 =	smax.u32 s8, $0x1;
	s9 =	sadd.s32 $0x2800, s0  }
.LBB2_1:
0x11: {  	[tilespmem:s3], [sflag:$0x3] =	stream.linear.gather [hbm4b:s4+s3], $0x800, $0x38;
	[tilespmem:$0x8800] =	vst v63  }
0x12: {  	_ =	swait.ge [sflag:s10], $0x800  }
0x13: {  	[sflag:s10] =	ssyncset.done $0x0  }
0x14: {  	s31 =	smov.u32 s9;
	s0 =	simm.s32 $0x0;
	[sflag:s10] =	ssyncadd.s32 $0xFFFFF800  }
.LBB2_2:
0x15: {  	s2 =	sshra.s32 s0, $0x2  }
0x16: {  	v3 =	vld [tilespmem:s2+$0x0];
	_ =	sdelay $0x4  }
0x17: {  	v4 =	vshll.u32 v3, $0x3  }
0x18: {  	v3 =	vand.u32 $0x7, v3;
	v4 =	vand.u32 $0xFFFFFFC0, v4  }
0x19: {  	v3 =	vor.u32 v3, v4  }
0x1a: {  	v4 =	vperm.xlane v3, v0;
	_ =	sdelay $0x1  }
0x1b: {  	v4 =	vadd.s32 v1, v4;
	_ =	sdelay $0x4  }
0x1c: {  	[tilespmem:s11], [sflag:$0x1] =	stream.indirect_vreg.gather [hbm4b:s1+s3], $0x80, v4, vm0, $0xb8;
	[tilespmem:$0x8800] =	vst v63  }
0x1d: {  	v3 =	vperm.xlane v3, v2  }
0x1e: {  	[tilespmem:s12], [sflag:$0x1] =	stream.indirect_vreg.gather [hbm4b:s5+s3], $0x80, v4, vm0, $0xb8;
	[tilespmem:$0x8800] =	vst v63  }
0x1f: {  	v3 =	vadd.s32 v1, v3  }
0x20: {  	[tilespmem:s13], [sflag:$0x1] =	stream.indirect_vreg.gather [hbm4b:s6+s3], $0x80, v4, vm0, $0xb8;
	[tilespmem:$0x8800] =	vst v63  }
0x21: {  	_ = 	snop  }
0x22: {  	[tilespmem:s14], [sflag:$0x1] =	stream.indirect_vreg.gather [hbm4b:s7+s3], $0x80, v4, vm0, $0xb8;
	[tilespmem:$0x8800] =	vst v63  }
0x23: {  	_ = 	snop  }
0x24: {  	[tilespmem:s15], [sflag:$0x1] =	stream.indirect_vreg.gather [hbm4b:s1+s3], $0x80, v3, vm0, $0xb8;
	[tilespmem:$0x8800] =	vst v63  }
0x25: {  	_ = 	snop  }
0x26: {  	[tilespmem:s16], [sflag:$0x1] =	stream.indirect_vreg.gather [hbm4b:s5+s3], $0x80, v3, vm0, $0xb8;
	[tilespmem:$0x8800] =	vst v63  }
0x27: {  	_ = 	snop  }
0x28: {  	[tilespmem:s17], [sflag:$0x1] =	stream.indirect_vreg.gather [hbm4b:s6+s3], $0x80, v3, vm0, $0xb8;
	[tilespmem:$0x8800] =	vst v63  }
0x29: {  	_ = 	snop  }
0x2a: {  	[tilespmem:s18], [sflag:$0x1] =	stream.indirect_vreg.gather [hbm4b:s7+s3], $0x80, v3, vm0, $0xb8;
	[tilespmem:$0x8800] =	vst v63  }
0x2b: {  	v3 =	vld [tilespmem:s2+$0x10];
	_ =	sdelay $0x4  }
0x2c: {  	v63 =	vshll.u32 v3, $0x3  }
0x2d: {  	v3 =	vand.u32 $0x7, v3;
	v4 =	vand.u32 $0xFFFFFFC0, v63  }
0x2e: {  	v3 =	vor.u32 v3, v4  }
0x2f: {  	v4 =	vperm.xlane v3, v0;
	_ =	sdelay $0x1  }
0x30: {  	v4 =	vadd.s32 v1, v4;
	_ =	sdelay $0x4  }
0x31: {  	[tilespmem:s19], [sflag:$0x1] =	stream.indirect_vreg.gather [hbm4b:s1+s3], $0x80, v4, vm0, $0xb8;
	[tilespmem:$0x8800] =	vst v63  }
0x32: {  	v3 =	vperm.xlane v3, v2  }
0x33: {  	[tilespmem:s20], [sflag:$0x1] =	stream.indirect_vreg.gather [hbm4b:s5+s3], $0x80, v4, vm0, $0xb8;
	[tilespmem:$0x8800] =	vst v63  }
0x34: {  	v3 =	vadd.s32 v1, v3  }
0x35: {  	[tilespmem:s21], [sflag:$0x1] =	stream.indirect_vreg.gather [hbm4b:s6+s3], $0x80, v4, vm0, $0xb8;
	[tilespmem:$0x8800] =	vst v63  }
0x36: {  	_ = 	snop  }
0x37: {  	[tilespmem:s22], [sflag:$0x1] =	stream.indirect_vreg.gather [hbm4b:s7+s3], $0x80, v4, vm0, $0xb8;
	[tilespmem:$0x8800] =	vst v63  }
0x38: {  	_ = 	snop  }
0x39: {  	[tilespmem:s23], [sflag:$0x1] =	stream.indirect_vreg.gather [hbm4b:s1+s3], $0x80, v3, vm0, $0xb8;
	[tilespmem:$0x8800] =	vst v63  }
0x3a: {  	_ = 	snop  }
0x3b: {  	[tilespmem:s24], [sflag:$0x1] =	stream.indirect_vreg.gather [hbm4b:s5+s3], $0x80, v3, vm0, $0xb8;
	[tilespmem:$0x8800] =	vst v63  }
0x3c: {  	_ = 	snop  }
0x3d: {  	[tilespmem:s25], [sflag:$0x1] =	stream.indirect_vreg.gather [hbm4b:s6+s3], $0x80, v3, vm0, $0xb8;
	[tilespmem:$0x8800] =	vst v63  }
0x3e: {  	_ = 	snop  }
0x3f: {  	[tilespmem:s26], [sflag:$0x1] =	stream.indirect_vreg.gather [hbm4b:s7+s3], $0x80, v3, vm0, $0xb8;
	[tilespmem:$0x8800] =	vst v63  }
0x40: {  	_ =	swait.ge [sflag:s28], $0x8000  }
0x41: {  	p0 =	sne.s32 s0, $0x1E00;
	[sflag:s28] =	ssyncset.done $0x0  }
.Ltmp0:
0x42: {  	[sflag:s28] =	ssyncadd.s32 $0xFFFF8000;
	(pc) =	sbr.rel @p0 .LBB2_2-.Ltmp0, $4  }
0x43: {  	[hbm4b:s31+s3] =	stream.linear.scatter [tilespmem:s11], [sflag:$0x2], $0x8000, $0x38;
	[tilespmem:$0x8800] =	vst v63  }
0x44: {  	_ =	swait.ge [sflag:s29], $0x8000  }
0x45: {  	[sflag:s29] =	ssyncset.done $0x0  }
0x46: {  	s0 =	sadd.s32 $0x200, s0;
	s31 =	sadd.s32 $0x1000, s31;
	[sflag:s29] =	ssyncadd.s32 $0xFFFF8000  }
0x47: {  	s30 =	sadd.s32 $0x1, s30  }
0x48: {  	p0 =	sne.s32 s30, s8  }
.Ltmp1:
0x49: {  	_ = 	snop;
	(pc) =	sbr.rel @p0 .LBB2_1-.Ltmp1, $1  }
0x4a: {  	_ =	sdelay $0x3  }
0x4b: {  	_ =	sfence.sel $0x180000  }
0x4c: {  	[bflag:$0x0] =	sbarrier.arrive $0xFFFF  }
0x4d: {  	_ =	strace $0x90000047  }
0x4e: {  	s0 =	stileid.u32;
	[bflag:$0x2] =	sbarrier.arrive $0xFFFF  }
0x4f: {  	p0 =	sne.s32 s0, $0x0;
	s0 =	rddreg [dreg:$0x2]  }
0x50: {  	s0 =	sadd.s32 @!p0 $0x100000, s0  }
0x51: {  	[sflag:s0] =	ssyncadd.tile.s32 @!p0 $0x1;
	_ =	shalt  }
.Lfunc_end2:
_tile_overlayer_lowered:
.L_overlay_start_2:
0x52: {  	(tag) =	ssettag $0x2  }
0x53: {  	s0 =	rddreg [dreg:$0x0];
	s2 =	stileid.u32  }
0x54: {  	s1 =	rddreg [dreg:$0x1];
	p0 =	sne.s32 s2, $0x0  }
0x55: {  	s3 =	rddreg [dreg:$0x2];
	[bflag:$0x3] =	sbarrier.arrive $0xFFFF;
	s2 =	simm.s32 @!p0 $0x1C03  }
0x56: {  	[timem:s3], [sflag:s2] =	dma.local @!p0 [hbm:s0], s1  }
0x57: {  	s0 =	simm.s32 @!p0 $0x3  }
0x58: {  	_ =	swait.ge @!p0 [sflag:s0], s1  }
0x59: {  	s1 =	ssub.s32 @!p0 $0x0, s1;
	[sflag:s0] =	ssyncset.done @!p0 $0x0  }
0x5a: {  	[sflag:s0] =	ssyncadd.s32 @!p0 s1  }
0x5b: {  	[bflag:$0x3] =	sbarrier.arrive $0xFFFF  }
0x5c: {  	_ =	shalt  }

// kernel: sparse-core-data-format-call.cloned.1.call-start
scs
called_computation_lowered:
.L_overlay_start_0:
0x0: {  	s2 =	sld [smem:$0x3FD9]  }
0x1: {  	s3 =	sld [smem:$0x3FFE];
	_ =	sdelay $0x1  }
0x2: {  	s1 =	srdreg.scid  }
0x3: {  	s0 =	sand.u32 $0x1, s1  }
0x4: {  	s18 =	sshll.u32 s0, $0xA;
	s2 =	sadd.s32 s3, s2  }
0x5: {  	s2 =	sadd.s32 s2, s18  }
0x6: {  	[smem:$0x3FC6] =	sst s2  }
0x7: {  	_ = 	snop  }
0x8: {  	s2 =	sld [smem:$0x3FD0];
	(tm) =	ssettm $0x1  }
0x9: {  	s19 =	sld [smem:$0x3FFB];
	_ =	sdelay $0x3  }
0xa: {  	_ =	strace s19  }
0xb: {  	s3 =	sld [smem:$0x3FFC];
	_ =	sdelay $0x3  }
0xc: {  	_ =	strace s3  }
0xd: {  	s3 =	sld [smem:$0x3FFD];
	_ =	sdelay $0x3  }
0xe: {  	_ =	strace s3  }
0xf: {  	_ =	strace $0x8FFFFFFF  }
0x10: {  	s20 =	sld [smem:$0x3FDB];
	_ =	sdelay $0x1  }
0x11: {  	s4 =	simm.s32 $_scs_section_size  }
0x12: {  	s5 =	simm.s32 $_size__tile_overlayer_lowered;
	s6 =	simm.s32 $_tile_overlayer_lowered  }
0x13: {  	s23 =	simm.s32 $0x1BFF;
	s22 =	sshll.u32 s6, $0x1;
	s3 =	sadd.s32 s4, s20  }
0x14: {  	s7 =	simm.s32 $0x0;
	s21 =	sshll.u32 s5, $0x1;
	s5 =	sadd.s32 s22, s3  }
0x15: {  	[timem:s7], [sflag:s23] =	dma.local [hbm:s5], s21  }
0x16: {  	_ =	swait.ge [sflag:s23], s21  }
0x17: {  	s4 =	ssub.s32 $0x0, s21;
	[sflag:s23] =	ssyncset.done $0x0  }
0x18: {  	[sflag:s23] =	ssyncadd.s32 s4;
	_ =	sdelay $0x1  }
0x19: {  	s24 =	simm.s32 $0x1B8B  }
0x1a: {  	_ =	swait.ge [sflag:s24], $0x1  }
0x1b: {  	[sflag:s24] =	ssyncset.done $0x0  }
0x1c: {  	s26 =	simm.s32 $0x1B8E;
	s25 =	sld [smem:$0x3FFE];
	[sflag:s24] =	ssyncadd.s32 $0xFFFFFFFF  }
0x1d: {  	s27 =	simm.s32 $execute0_lowered;
	[smem:$0x3FD2] =	sst s26  }
0x1e: {  	s5 =	sshll.u32 s27, $0x1;
	_ =	strace $0x80000049;
	[dreg:$0x1] =	wrdreg $0xFFFFFFFF  }
0x1f: {  	s28 =	simm.s32 $_size_execute0_lowered;
	s3 =	sadd.s32 s3, s5;
	[dreg:$0x0] =	wrdreg $0x0  }
0x20: {  	s5 =	sshll.u32 s28, $0x1;
	[dreg:$0x2] =	wrdreg s3  }
0x21: {  	[dreg:$0x3] =	wrdreg s5  }
0x22: {  	[dreg:$0x4] =	wrdreg $0xC0  }
0x23: {  	_ =	task [dreg:s7], $0x5FFFF  }
0x24: {  	[dreg:$0x1] =	wrdreg $0xFFFFFFFF  }
0x25: {  	[dreg:$0x0] =	wrdreg $0x60  }
0x26: {  	[dreg:$0x2] =	wrdreg s25  }
0x27: {  	[dreg:$0x3] =	wrdreg s2  }
0x28: {  	[dreg:$0x4] =	wrdreg $0x9  }
0x29: {  	_ =	task.clear_ibuf [dreg:s7], $0x5FFFF;
	_ =	strace $0x90000049  }
0x2a: {  	s29 =	simm.s32 $0x9;
	_ =	strace $0x8000004B  }
0x2b: {  	_ =	swait.ge [sflag:s29], $0x1  }
0x2c: {  	[sflag:s29] =	ssyncadd.s32 $0xFFFFFFFF  }
0x2d: {  	_ =	strace $0x9000004B  }
0x2e: {  	_ =	sfence  }
0x2f: {  	s30 =	sld [smem:$0x0];
	_ =	sdelay $0x2  }
0x30: {  	s31 =	sshll.u32 s1, $0xD;
	s1 =	sshrl.u32 s1, $0x2  }
0x31: {  	s3 =	sand.u32 $0x4000, s31;
	s1 =	sadd.s32 s1, s30  }
0x32: {  	s0 =	sor.u32 s3, s0;
	s1 =	sshll.u32 s1, $0x11  }
0x33: {  	s0 =	sor.u32 s1, s0  }
0x34: {  	s0 =	sadd.s32 $0x8F2B, s0  }
0x35: {  	[sflag:s0] =	ssyncadd.remote.s32 $0x1  }
0x36: {  	_ =	sfence.sel $0xFFFF  }
0x37: {  	[dreg:$0x0] =	wrdreg $0xFFFFFFFF;
	(pc) =	sbr.abs _section_cstart, $3  }
0x38: {  	[dreg:$0x1] =	wrdreg $0xFFFFFFFF  }
0x39: {  	_ =	task.clear_ibuf [dreg:s7], $0x2FFFF;
	_ =	strace $0x9FFFFFFF  }
0x3a: {  	(tm) =	ssettm $0x7FFFFFFF  }
0x3b: {  	_ =	shalt  }
tec
execute0_lowered:
.L_overlay_start_1:
0x0: {  	(tag) =	ssettag $0x1  }
0x1: {  	s0 =	srdreg.scid;
	s5 =	rddreg [dreg:$0x0]  }
0x2: {  	s3 =	rddreg [dreg:$0x1];
	s1 =	sshll.u32 s0, $0x4  }
0x3: {  	s7 =	simm.s32 $0x1;
	s0 =	stileid.u32;
	s1 =	sand.u32 $0x10, s1  }
0x4: {  	s8 =	simm.s32 $0x2;
	s15 =	simm.s32 $0x0;
	s1 =	sor.u32 s0, s1  }
0x5: {  	s14 =	simm.s32 $0x0;
	s9 =	simm.s32 $0x0;
	s2 =	sshll.u32 s1, $0x7  }
0x6: {  	s10 =	simm.s32 $0x0;
	s11 =	simm.s32 $0x0;
	s6 =	ssub.s32 $0x4000, s2  }
0x7: {  	s13 =	simm.s32 $0x0;
	s5 =	sadd.s32 $0x2800, s5;
	s4 =	sand.u32 $0xF80, s6  }
.Ltmp0:
0x8: {  	s1 =	rddreg [dreg:$0x2];
	p0 =	sne.s32 s4, $0x0;
	(pc) =	sbr.rel .LBB1_1-.Ltmp0, $4  }
0x9: {  	_ =	strace $0x8000004A;
	s6 =	sshrl.u32 s6, $0xC;
	s7 =	simm.s32 @!p0 $0x0  }
0xa: {  	s12 =	smov.u32 s2;
	s4 =	simm.s32 $0x1;
	s6 =	sadd.s32 s7, s6  }
0xb: {  	[sflag:s4] =	ssyncpa.u1 $0x0;
	p0 =	por $0x0, $0x0;
	s6 =	sshll.u32 s6, $0x3  }
0xc: {  	[sflag:s8] =	ssyncpa.u1 $0x0;
	s8 =	simm.s32 $0x20000;
	s7 =	sor.u32 $0x1, s6  }
.LBB1_4:
0xd: {  	s20 =	sshra.s32 s20, $0x2  }
0xe: {  	s28 =	sand.u32 $0x78, s10;
	s21 =	sshll.u32 s9, $0xE;
	s22 =	sshll.u32 s10, $0x3  }
0xf: {  	s24 =	sshll.u32 s9, $0x7;
	p1 =	sgt.s32 s9, $0x368;
	s30 =	sshra.s32 s9, $0x1F  }
0x10: {  	s26 =	sshra.s32 s10, $0x1F;
	s19 =	sadd.s32 s20, s19;
	s21 =	sand.u32 $0xFFFE0000, s21  }
0x11: {  	v5 =	vld [tilespmem:s17+$0xFFFFFFD0];
	[tilespmem:s18+$0x2040 ss:$0x81] =	vst.msk $0xffff, v4;
	s23 =	sand.u32 $0xFFFFFC00, s22;
	s29 =	sand.u32 $0x380, s24;
	s22 =	sand.u32 $0x3C00, s22  }
0x12: {  	v58 =	vld [tilespmem:s17+$0xFFFFFFE0];
	[tilespmem:s18+$0x2850 ss:$0x81] =	vst.msk $0xffff, v3;
	s21 =	sadd.s32 s23, s21;
	s20 =	sor.u32 s28, s22;
	s22 =	smov.u32 s9  }
0x13: {  	v59 =	vld [tilespmem:s17+$0xFFFFFFF0];
	[tilespmem:s18+$0x3060 ss:$0x81] =	vst.msk $0xffff, v2;
	s24 =	sand.u32 s30, s9;
	s21 =	sshrl.u32 s21, $0xE;
	s22 =	simm.s32 @!p1 $0x368  }
0x14: {  	v60 =	vld [tilespmem:s17+$0x0];
	[tilespmem:s18+$0x0 ss:$0x81] =	vst.msk $0xffff, v1;
	p1 =	sgt.s32 s10, $0x3F80;
	s31 =	ssub.s32 s22, s24;
	s22 =	smov.u32 s10  }
0x15: {  	v61 =	vld [tilespmem:s17+$0x10];
	[tilespmem:s19+$0x3870 ss:$0x81] =	vst.msk $0xffff, v0;
	s25 =	smulhi.u32 $0x418938, s21;
	s24 =	sand.u32 s26, s10;
	s22 =	simm.s32 @!p1 $0x3F80  }
0x16: {  	v62 =	vld [tilespmem:s17+$0x20];
	s20 =	sor.u32 s29, s20;
	[tilespmem:s19+$0x810 ss:$0x81] =	vst.msk $0xffff, v5;
	s27 =	sadd.s32 $0xFFFFFC98, s31;
	s22 =	ssub.s32 s22, s24  }
0x17: {  	v63 =	vld [tilespmem:s17+$0xFFFFFFC0];
	[tilespmem:s19+$0x1020 ss:$0x81] =	vst.msk $0xffff, v58;
	s18 =	ssub.s32 $0x3E8, s31;
	s28 =	smul.u32 $0x3E8, s25;
	s29 =	sadd.s32 $0xFFFFC080, s22  }
0x18: {  	[tilespmem:s19+$0x1830 ss:$0x81] =	vst.msk $0xffff, v59;
	p1 =	sgt.s32 s27, $0x7F;
	s22 =	ssub.s32 $0x4000, s22;
	p2 =	sgt.s32 s29, $0x7F  }
0x19: {  	s30 =	sand.u32 $0x7, s10;
	[tilespmem:s19+$0x2040 ss:$0x81] =	vst.msk $0xffff, v60;
	s18 =	simm.s32 @p1 $0x0;
	s22 =	simm.s32 @p2 $0x0  }
0x1a: {  	s20 =	sshrl.u32 s20, $0x3;
	[tilespmem:s19+$0x2850 ss:$0x81] =	vst.msk $0xffff, v61;
	s17 =	ssub.s32 s21, s28;
	s18 =	smul.u32 s22, s18  }
0x1b: {  	[tilespmem:s19+$0x3060 ss:$0x81] =	vst.msk $0xffff, v62;
	s20 =	sadd.s32 s3, s20;
	s21 =	sshll.u32 s30, $0x12;
	s17 =	sshll.u32 s17, $0xB  }
0x1c: {  	[tilespmem:s19+$0x0 ss:$0x81] =	vst.msk $0xffff, v63;
	s31 =	sor.u32 $0x400, s21;
	s17 =	sadd.s32 s17, s20;
	s18 =	sand.u32 $0x3FFFFFFF, s18  }
0x1d: {  	[hbm4b:s17+s31] =	stream.strided.scatter [tilespmem:s16], [sflag:$0x2], s18, s8, s31, $0x20;
	[tilespmem:$0x10100] =	vst v63  }
.LBB1_5:
0x1e: {  	p1 =	slt.u32 s13, $0x2  }
0x1f: {  	s17 =	smov.u32 s15;
	p2 =	sgt.s32 @!p1 s15, $0x368;
	s16 =	sshra.s32 @!p1 s15, $0x1F  }
0x20: {  	p3 =	sgt.s32 @!p1 s14, $0x3F80;
	s18 =	sshra.s32 @!p1 s14, $0x1F;
	p2 =	por !p2, p1  }
0x21: {  	s15 =	sand.u32 @!p1 s16, s15;
	p3 =	por !p3, p1;
	s16 =	smov.u32 s14  }
0x22: {  	s14 =	sand.u32 @!p1 s18, s14;
	s17 =	simm.s32 @p2 $0x368;
	s16 =	simm.s32 @p3 $0x3F80  }
0x23: {  	s15 =	ssub.s32 @!p1 s17, s15;
	s14 =	ssub.s32 @!p1 s16, s14  }
0x24: {  	s18 =	smov.u32 s12;
	s16 =	sadd.s32 @!p1 $0xFFFFFC98, s15;
	s17 =	sadd.s32 @!p1 $0xFFFFC080, s14  }
0x25: {  	s15 =	ssub.s32 @!p1 $0x3E8, s15;
	p2 =	sgt.s32 @!p1 s16, $0x7F;
	p3 =	sgt.s32 @!p1 s17, $0x7F  }
0x26: {  	s14 =	ssub.s32 @!p1 $0x4000, s14;
	p2 =	por !p2, p1;
	p3 =	por !p3, p1  }
0x27: {  	s16 =	sadd.s32 $0x80, s11;
	s15 =	simm.s32 @!p2 $0x0;
	s14 =	simm.s32 @!p3 $0x0  }
0x28: {  	p2 =	sgt.s32 s16, $0x3E7;
	s14 =	smul.u32 @!p1 s14, s15;
	s15 =	sadd.s32 $0x1000, s12  }
0x29: {  	s18 =	smov.u32 @p2 s15  }
0x2a: {  	s16 =	simm.s32 @p2 $0x0;
	p2 =	sgt.s32 s18, $0x3FFF  }
0x2b: {  	s18 =	smov.u32 @p2 s2;
	p2 =	sne.s32 s13, s7  }
.Ltmp1:
0x2c: {  	p0 =	por !p0, !p0;
	s17 =	simm.s32 @!p1 $0x2;
	(pc) =	sbr.rel @!p2 .LBB1_6-.Ltmp1, $4  }
0x2d: {  	s15 =	smov.u32 s9;
	s9 =	smov.u32 s11;
	s14 =	sand.u32 @!p1 $0x3FFFFFFF, s14  }
0x2e: {  	s11 =	smov.u32 s16;
	_ =	swait.ge @!p1 [sflag:s17], s14;
	s19 =	ssub.s32 @!p1 $0x0, s14  }
0x2f: {  	s14 =	smov.u32 s10;
	s13 =	sadd.s32 $0x1, s13;
	[sflag:s17] =	ssyncset.done @!p1 $0x0  }
0x30: {  	s10 =	smov.u32 s12;
	s12 =	smov.u32 s18;
	[sflag:s17] =	ssyncadd.s32 @!p1 s19  }
.LBB1_1:
0x31: {  	p1 =	sge.u32 s13, s6  }
0x32: {  	s31 =	sadd.s32 $0xFFFFFFFF, s13;
	s16 =	sshll.u32 @!p1 s12, $0xA  }
0x33: {  	s17 =	sshll.u32 @!p1 s11, $0x3;
	s18 =	sshll.u32 @!p1 s12, $0x7;
	s16 =	sand.u32 @!p1 $0xFFE000, s16  }
0x34: {  	s19 =	sand.u32 @!p1 $0x78, s11;
	s16 =	sadd.s32 @!p1 s16, s17;
	s17 =	sand.u32 @!p1 $0x380, s18  }
0x35: {  	s18 =	sxor.u32 @!p1 $0xFFFFFFFF, s13;
	s16 =	sand.u32 @!p1 $0xFFFC00, s16;
	s17 =	sor.u32 @!p1 s17, s19  }
0x36: {  	s18 =	sshll.u32 @!p1 s18, $0xE;
	s16 =	sor.u32 @!p1 s16, s17;
	s17 =	sand.u32 @!p1 $0x7, s11  }
0x37: {  	s19 =	simm.s32 @!p1 $0x2000;
	s16 =	sshrl.u32 @!p1 s16, $0x3;
	s17 =	sshll.u32 @!p1 s17, $0x12  }
0x38: {  	s18 =	sand.u32 @!p1 $0x4000, s18;
	s16 =	sadd.s32 @!p1 s5, s16;
	s17 =	sor.u32 @!p1 $0x400, s17  }
0x39: {  	[tilespmem:s18], [sflag:$0x1] =	stream.strided.gather @!p1 [hbm4b:s16+s17], $0x4000, s19, s17, $0x38;
	[tilespmem:$0x10100] =	vst v63  }
0x3a: {  	p1 =	sge.u32 s31, s6  }
.Ltmp2:
0x3b: {  	_ = 	snop;
	(pc) =	sbr.rel @p1 .LBB1_5-.Ltmp2, $1  }
0x3c: {  	_ =	sdelay $0x3  }
0x3d: {  	s16 =	simm.s32 $0x1  }
0x3e: {  	_ =	swait.ge [sflag:s4], $0x4000;
	s16 =	simm.s32 @!p0 $0x0  }
0x3f: {  	[sflag:s4] =	ssyncset.done $0x0;
	s17 =	sshll.u32 s16, $0xE  }
0x40: {  	[sflag:s4] =	ssyncadd.s32 $0xFFFFC000;
	s17 =	sor.u32 $0x40, s17  }
0x41: {  	s16 =	smul.u32 $0x10200, s16;
	v0 =	vld [tilespmem:s17+$0x30]  }
0x42: {  	v1 =	vld [tilespmem:s17+$0xFFFFFFD0]  }
0x43: {  	s16 =	sshrl.u32 s16, $0x2;
	v5 =	vld [tilespmem:s17+$0xFFFFFFE0]  }
0x44: {  	v6 =	vld [tilespmem:s17+$0xFFFFFFF0];
	s19 =	sor.u32 $0x8000, s16  }
0x45: {  	s31 =	sand.u32 $0x1, s13;
	v4 =	vld [tilespmem:s17+$0x0];
	s18 =	sadd.s32 $0x0, s19  }
0x46: {  	v3 =	vld [tilespmem:s17+$0x10];
	s16 =	smul.u32 $0x10200, s31;
	[tilespmem:s18+$0x3870 ss:$0x81] =	vst.msk $0xffff, v0  }
0x47: {  	v2 =	vld [tilespmem:s17+$0x20];
	[tilespmem:s18+$0x810 ss:$0x81] =	vst.msk $0xffff, v1  }
0x48: {  	s16 =	sshrl.u32 s16, $0x2;
	v1 =	vld [tilespmem:s17+$0xFFFFFFC0];
	[tilespmem:s18+$0x1020 ss:$0x81] =	vst.msk $0xffff, v5;
	s17 =	sadd.s32 $0x80, s17  }
0x49: {  	s20 =	simm.s32 $0x4;
	s21 =	simm.s32 $0x8;
	s16 =	sor.u32 $0x8000, s16;
	[tilespmem:s18+$0x1830 ss:$0x81] =	vst.msk $0xffff, v6;
	v0 =	vld [tilespmem:s17+$0x30]  }
.LBB1_3:
0x4a: {  	p1 =	sne.s32 s21, $0x1FC;
	v5 =	vld [tilespmem:s17+$0xFFFFFFD0];
	[tilespmem:s18+$0x2040 ss:$0x81] =	vst.msk $0xffff, v4  }
0x4b: {  	v6 =	vld [tilespmem:s17+$0xFFFFFFE0];
	[tilespmem:s18+$0x2850 ss:$0x81] =	vst.msk $0xffff, v3  }
0x4c: {  	s22 =	sshra.s32 s20, $0x2;
	s20 =	smov.u32 s21;
	v7 =	vld [tilespmem:s17+$0xFFFFFFF0];
	[tilespmem:s18+$0x3060 ss:$0x81] =	vst.msk $0xffff, v2  }
.Ltmp3:
0x4d: {  	v4 =	vld [tilespmem:s17+$0x0];
	[tilespmem:s18+$0x0 ss:$0x81] =	vst.msk $0xffff, v1;
	s18 =	sadd.s32 s22, s19;
	(pc) =	sbr.rel @p1 .LBB1_3-.Ltmp3, $4  }
0x4e: {  	v3 =	vld [tilespmem:s17+$0x10];
	[tilespmem:s18+$0x3870 ss:$0x81] =	vst.msk $0xffff, v0  }
0x4f: {  	[tilespmem:s18+$0x810 ss:$0x81] =	vst.msk $0xffff, v5;
	v2 =	vld [tilespmem:s17+$0x20]  }
0x50: {  	v1 =	vld [tilespmem:s17+$0xFFFFFFC0];
	[tilespmem:s18+$0x1020 ss:$0x81] =	vst.msk $0xffff, v6;
	s17 =	sadd.s32 $0x80, s17  }
0x51: {  	s21 =	sadd.s32 $0x4, s21;
	v0 =	vld [tilespmem:s17+$0x30];
	[tilespmem:s18+$0x1830 ss:$0x81] =	vst.msk $0xffff, v7  }
.Ltmp4:
0x52: {  	_ = 	snop;
	(pc) =	sbr.rel .LBB1_4-.Ltmp4, $1  }
0x53: {  	_ =	sdelay $0x3  }
.LBB1_6:
0x54: {  	_ =	sfence.sel $0x180000  }
0x55: {  	s2 =	simm.s32 $0x1;
	[bflag:$0x0] =	sbarrier.arrive $0xFFFF  }
0x56: {  	s31 =	simm.s32 $0x2;
	[sflag:s2] =	ssyncpa.u1 $0x1  }
0x57: {  	[sflag:s31] =	ssyncpa.u1 $0x1  }
0x58: {  	p0 =	sne.s32 s0, $0x0;
	_ =	strace $0x9000004A  }
0x59: {  	s0 =	sadd.s32 @!p0 $0x100000, s1;
	[bflag:$0x2] =	sbarrier.arrive $0xFFFF  }
0x5a: {  	[sflag:s0] =	ssyncadd.tile.s32 @!p0 $0x1;
	_ =	shalt  }
.Lfunc_end1:
_tile_overlayer_lowered:
.L_overlay_start_2:
0x5b: {  	(tag) =	ssettag $0x2  }
0x5c: {  	s0 =	rddreg [dreg:$0x0];
	s2 =	stileid.u32  }
0x5d: {  	s1 =	rddreg [dreg:$0x1];
	p0 =	sne.s32 s2, $0x0  }
0x5e: {  	s3 =	rddreg [dreg:$0x2];
	[bflag:$0x3] =	sbarrier.arrive $0xFFFF;
	s2 =	simm.s32 @!p0 $0x1C01  }
0x5f: {  	[timem:s3], [sflag:s2] =	dma.local @!p0 [hbm:s0], s1  }
0x60: {  	s0 =	simm.s32 @!p0 $0x1  }
0x61: {  	_ =	swait.ge @!p0 [sflag:s0], s1  }
0x62: {  	s1 =	ssub.s32 @!p0 $0x0, s1;
	[sflag:s0] =	ssyncset.done @!p0 $0x0  }
0x63: {  	[sflag:s0] =	ssyncadd.s32 @!p0 s1  }
0x64: {  	[bflag:$0x3] =	sbarrier.arrive $0xFFFF  }
0x65: {  	_ =	shalt  }

</sc_bundles>
